<compile_context>
chip_gen: v7x
topology: tpu7x:2x2x1
jax: 0.10.2.dev20260603
libtpu: 0.0.44.dev20260713+nightly
codegen_flags: <defaults>
</compile_context>

<pallas_src>
import functools

import jax
import jax.numpy as jnp
from jax import lax
from jax.experimental import pallas as pl
from jax.experimental.pallas import tpu as pltpu
from jax.experimental.pallas import tpu_sc as plsc

_NUM_CODES = 8192
_DIM = 32
_TB = 512
_CCHUNK = 1024


def _argmin_body(x_ref, cb_ref, ids_ref):
    xb = x_ref[...]
    cb = cb_ref[...]
    x2 = jnp.sum(xb * xb, axis=1)
    c2 = jnp.sum(cb * cb, axis=1)
    cb2 = cb + cb
    ii = lax.broadcasted_iota(jnp.int32, (_TB, _CCHUNK), 1)

    best_s = jnp.full((_TB,), jnp.inf, jnp.float32)
    best_i = jnp.zeros((_TB,), jnp.int32)
    for k in range(_NUM_CODES // _CCHUNK):
        cbk = cb2[k * _CCHUNK:(k + 1) * _CCHUNK, :]
        c2k = c2[k * _CCHUNK:(k + 1) * _CCHUNK]
        xc2 = lax.dot_general(xb, cbk, (((1,), (1,)), ((), ())),
                              preferred_element_type=jnp.float32)
        d2 = jnp.maximum((x2[:, None] + c2k[None, :]) - xc2, 0.0)
        s = jnp.sqrt(d2)
        m = jnp.min(s, axis=1)
        idk = jnp.min(jnp.where(s == m[:, None], ii, jnp.int32(2**31 - 1)),
                      axis=1) + k * _CCHUNK
        upd = m < best_s
        best_i = jnp.where(upd, idk, best_i)
        best_s = jnp.where(upd, m, best_s)
    ids_ref[...] = best_i


def _argmin_ids(x2d, codebook):
    n_tok = x2d.shape[0]
    grid = n_tok // _TB
    return pl.pallas_call(
        _argmin_body,
        grid=(grid,),
        in_specs=[
            pl.BlockSpec((_TB, _DIM), lambda i: (i, 0)),
            pl.BlockSpec((_NUM_CODES, _DIM), lambda i: (0, 0)),
        ],
        out_specs=pl.BlockSpec((_TB,), lambda i: (i,)),
        out_shape=jax.ShapeDtypeStruct((n_tok,), jnp.int32),
    )(x2d, codebook)


def _sc_gather(codebook, ids):
    info = plsc.get_sparse_core_info()
    nc, ns = info.num_cores, info.num_subcores
    nw = nc * ns
    n_tok = ids.shape[0]
    b_per_w = n_tok // nw

    @functools.partial(
        pl.kernel,
        mesh=plsc.VectorSubcoreMesh(core_axis_name="c", subcore_axis_name="s"),
        compiler_params=pltpu.CompilerParams(use_tc_tiling_on_sc=False),
        out_type=jax.ShapeDtypeStruct((n_tok, _DIM), jnp.float32),
        scratch_types=[
            pltpu.VMEM((b_per_w,), jnp.int32),
            pltpu.VMEM((b_per_w, _DIM), jnp.float32),
            pltpu.SemaphoreType.DMA,
        ],
    )
    def gather_k(table_hbm, idx_hbm, out_hbm, idx_v, rows_v, sem):
        wid = lax.axis_index("s") * nc + lax.axis_index("c")
        base = wid * b_per_w
        pltpu.sync_copy(idx_hbm.at[pl.ds(base, b_per_w)], idx_v)
        pltpu.async_copy(table_hbm.at[idx_v], rows_v, sem).wait()
        pltpu.sync_copy(rows_v, out_hbm.at[pl.ds(base, b_per_w)])

    return gather_k(codebook, ids)


def kernel(x, codebook):
    b, t, d = x.shape
    x2d = x.reshape(b * t, d)
    ids = _argmin_ids(x2d, codebook)
    codes = _sc_gather(codebook, ids)
    return codes.reshape(b, t, d), ids.reshape(b, t, 1)

# --- scband reference (transcript-rebuilt; emitter-appended) ---
"""Pipeline reference for scband-codebook-layer-29772713295963 (READ-ONLY COPY).

The authoritative reference and input builder live on the scoring server;
editing this copy changes nothing except your own understanding.
"""

import jax, jax.numpy as jnp
import numpy as np

KCODES = 1
NUM_CODES = 8192
DIM = 32


def setup_inputs(seed: int = 0) -> dict:
    key = jax.random.key(seed)
    k1, k2 = jax.random.split(key)
    x = jax.random.normal(k1, (16, 1024, DIM), dtype=jnp.float32)
    codebook = jax.random.normal(k2, (NUM_CODES, DIM), dtype=jnp.float32) * 0.02
    return {"x": x, "codebook": codebook}


def reference(x, codebook):
    # EuclideanSnapFunction.forward with default hook_kwargs
    # (disable_codes=[], disable_topk=0, disable_for_tkns=[], keep_k_codes=True)
    # logits = -cdist(x, codebook, p=2)
    x2 = jnp.sum(x * x, axis=-1, keepdims=True)            # [B, T, 1]
    c2 = jnp.sum(codebook * codebook, axis=-1)             # [K]
    xc = jnp.einsum('btd,kd->btk', x, codebook)            # [B, T, K]
    d2 = jnp.maximum(x2 + c2[None, None, :] - 2.0 * xc, 0.0)
    logits = -jnp.sqrt(d2)
    _, codebook_ids = jax.lax.top_k(logits, KCODES)        # [B, T, kcodes]
    # embedding lookup of selected codes (SparseCore gather)
    codes = jnp.take(codebook, codebook_ids, axis=0)       # [B, T, kcodes, D]
    outputs = codes.sum(axis=-2) / KCODES                  # [B, T, D]
    return outputs, codebook_ids

if __name__ == "__main__":
    import jax
    _d = setup_inputs()
    print(jax.jit(kernel)(*tuple(_d.values())))

</pallas_src>

<mosaic_0001>
#map = affine_map<(d0, d1) -> (0, 0)>
#map1 = affine_map<(d0, d1) -> (0)>
module attributes {stable_mosaic.version = 14 : i64} {
  func.func @gather_k(%arg0: i32, %arg1: i32, %arg2: memref<8192x32xf32, #tpu.memory_space<hbm>>, %arg3: memref<16384xi32, #tpu.memory_space<hbm>>, %arg4: memref<16384x32xf32, #tpu.memory_space<hbm>>, %arg5: memref<512xi32, #tpu.memory_space<vmem>>, %arg6: memref<512x32xf32, #tpu.memory_space<vmem>>, %arg7: memref<!tpu.dma_semaphore, #tpu.memory_space<semaphore_mem>>) attributes {dimension_semantics = [#tpu.dimension_semantics<core_parallel>, #tpu.dimension_semantics<subcore_parallel>], iteration_bounds = array<i64: 2, 16>, scalar_prefetch = 0 : i64, scratch_operands = 3 : i64, tpu.core_type = #tpu.core_type<sc_vector_subcore>, window_params = [{transform_indices = #map}, {transform_indices = #map1}, {transform_indices = #map}]} {
    %mul3A = arith.constant 2 : i32
    %mul3A_0 = arith.muli %arg1, %mul3A : i32
    %add3A = arith.addi %mul3A_0, %arg0 : i32
    %mul3A_1 = arith.constant 512 : i32
    %mul3A_2 = arith.muli %add3A, %mul3A_1 : i32
    "tpu.region"() ({
      %run_scoped3A = tpu.sem_alloc : memref<!tpu.dma_semaphore, #tpu.memory_space<semaphore_mem>>
      %dma_start3A_7 = tpu.memref_slice %arg3[%mul3A_2] : memref<16384xi32, #tpu.memory_space<hbm>> -> memref<512xi32, #tpu.memory_space<hbm>>
      %dma_start3A_8 = tpu.memref_slice %arg3[%mul3A_2] : memref<16384xi32, #tpu.memory_space<hbm>> -> memref<512xi32, #tpu.memory_space<hbm>>
      tpu.enqueue_dma source(%dma_start3A_8 : memref<512xi32, #tpu.memory_space<hbm>>) target(%arg5 : memref<512xi32, #tpu.memory_space<vmem>>) target_semaphore(%run_scoped3A : memref<!tpu.dma_semaphore, #tpu.memory_space<semaphore_mem>>)
      %dma_wait3A_9 = tpu.memref_slice %arg3[%mul3A_2] : memref<16384xi32, #tpu.memory_space<hbm>> -> memref<512xi32, #tpu.memory_space<hbm>>
      %dma_wait3A_10 = tpu.memref_slice %arg3[%mul3A_2] : memref<16384xi32, #tpu.memory_space<hbm>> -> memref<512xi32, #tpu.memory_space<hbm>>
      tpu.wait_dma2 semaphore(%run_scoped3A : memref<!tpu.dma_semaphore, #tpu.memory_space<semaphore_mem>>) src(%dma_wait3A_10 : memref<512xi32, #tpu.memory_space<hbm>>) dst(%arg5 : memref<512xi32, #tpu.memory_space<vmem>>)
      tpu.yield
    }) : () -> ()
    %dma_start3A = arith.constant 0 : i32
    %dma_start3A_3 = arith.constant 0 : i32
    %dma_start3A_4 = tpu.memref_slice %arg2[%dma_start3A, %dma_start3A_3] : memref<8192x32xf32, #tpu.memory_space<hbm>> -> memref<8192x32xf32, #tpu.memory_space<hbm>>
    tpu.enqueue_indirect_dma source(%dma_start3A_4 : memref<8192x32xf32, #tpu.memory_space<hbm>>) target(%arg6 : memref<512x32xf32, #tpu.memory_space<vmem>>) offsets(%arg5 : memref<512xi32, #tpu.memory_space<vmem>>) semaphore(%arg7 : memref<!tpu.dma_semaphore, #tpu.memory_space<semaphore_mem>>)
    %dma_wait3A = arith.constant 0 : i32
    %dma_wait3A_5 = arith.constant 0 : i32
    %dma_wait3A_6 = tpu.memref_slice %arg2[%dma_wait3A, %dma_wait3A_5] : memref<8192x32xf32, #tpu.memory_space<hbm>> -> memref<8192x32xf32, #tpu.memory_space<hbm>>
    tpu.wait_indirect_dma semaphore(%arg7 : memref<!tpu.dma_semaphore, #tpu.memory_space<semaphore_mem>>) src(%dma_wait3A_6 : memref<8192x32xf32, #tpu.memory_space<hbm>>) dst(%arg6 : memref<512x32xf32, #tpu.memory_space<vmem>>)
    "tpu.region"() ({
      %run_scoped3A = tpu.sem_alloc : memref<!tpu.dma_semaphore, #tpu.memory_space<semaphore_mem>>
      %dma_start3A_7 = arith.constant 0 : i32
      %dma_start3A_8 = tpu.memref_slice %arg4[%mul3A_2, %dma_start3A_7] : memref<16384x32xf32, #tpu.memory_space<hbm>> -> memref<512x32xf32, #tpu.memory_space<hbm>>
      %dma_start3A_9 = arith.constant 0 : i32
      %dma_start3A_10 = tpu.memref_slice %arg4[%mul3A_2, %dma_start3A_9] : memref<16384x32xf32, #tpu.memory_space<hbm>> -> memref<512x32xf32, #tpu.memory_space<hbm>>
      tpu.enqueue_dma source(%arg6 : memref<512x32xf32, #tpu.memory_space<vmem>>) target(%dma_start3A_10 : memref<512x32xf32, #tpu.memory_space<hbm>>) target_semaphore(%run_scoped3A : memref<!tpu.dma_semaphore, #tpu.memory_space<semaphore_mem>>)
      %dma_wait3A_11 = arith.constant 0 : i32
      %dma_wait3A_12 = tpu.memref_slice %arg4[%mul3A_2, %dma_wait3A_11] : memref<16384x32xf32, #tpu.memory_space<hbm>> -> memref<512x32xf32, #tpu.memory_space<hbm>>
      %dma_wait3A_13 = arith.constant 0 : i32
      %dma_wait3A_14 = tpu.memref_slice %arg4[%mul3A_2, %dma_wait3A_13] : memref<16384x32xf32, #tpu.memory_space<hbm>> -> memref<512x32xf32, #tpu.memory_space<hbm>>
      tpu.wait_dma2 semaphore(%run_scoped3A : memref<!tpu.dma_semaphore, #tpu.memory_space<semaphore_mem>>) src(%arg6 : memref<512x32xf32, #tpu.memory_space<vmem>>) dst(%dma_wait3A_14 : memref<512x32xf32, #tpu.memory_space<hbm>>)
      tpu.yield
    }) : () -> ()
    return
  }
}

module attributes {stable_mosaic.version = 14 : i64} {
  func.func @_argmin_body(%arg0: i32, %arg1: memref<512x32xf32, #tpu.memory_space<vmem>>, %arg2: memref<8192x32xf32, #tpu.memory_space<vmem>>, %arg3: memref<512xi32, #tpu.memory_space<vmem>>) attributes {dimension_semantics = [#tpu.dimension_semantics<arbitrary>], iteration_bounds = array<i64: 32>, scalar_prefetch = 0 : i64, scratch_operands = 0 : i64, tpu.core_type = #tpu.core_type<tc>, window_params = [{transform_indices = @transform_0, window_bounds = array<i64: 512, 32>}, {pipeline_mode = #tpu.pipeline_mode<synchronous>, transform_indices = @transform_1, window_bounds = array<i64: 8192, 32>}, {transform_indices = @transform_2, window_bounds = array<i64: 512>}]} {
    %get3A = arith.constant 0 : index
    %get3A_0 = arith.constant 0 : index
    %get3A_1 = vector.load %arg1[%get3A, %get3A_0] : memref<512x32xf32, #tpu.memory_space<vmem>>, vector<512x32xf32>
    %get3A_2 = arith.constant 0 : index
    %get3A_3 = arith.constant 0 : index
    %get3A_4 = vector.load %arg2[%get3A_2, %get3A_3] : memref<8192x32xf32, #tpu.memory_space<vmem>>, vector<8192x32xf32>
    %mul3A = arith.mulf %get3A_1, %get3A_1 : vector<512x32xf32>
    %reduce_sum3A = arith.constant dense<0.000000e+00> : vector<512xf32>
    %reduce_sum3A_5 = vector.multi_reduction <add>, %mul3A, %reduce_sum3A [1] : vector<512x32xf32> to vector<512xf32>
    %mul3A_6 = arith.mulf %get3A_4, %get3A_4 : vector<8192x32xf32>
    %reduce_sum3A_7 = arith.constant dense<0.000000e+00> : vector<8192xf32>
    %reduce_sum3A_8 = vector.multi_reduction <add>, %mul3A_6, %reduce_sum3A_7 [1] : vector<8192x32xf32> to vector<8192xf32>
    %add3A = arith.addf %get3A_4, %get3A_4 : vector<8192x32xf32>
    %iota3A = tpu.iota {dimensions = array<i32: 1>} : vector<512x1024xi32>
    %broadcast_in_dim3A = arith.constant 0x7F800000 : f32
    %broadcast_in_dim3A_9 = vector.broadcast %broadcast_in_dim3A : f32 to vector<512xf32>
    %broadcast_in_dim3A_10 = arith.constant 0 : i32
    %broadcast_in_dim3A_11 = vector.broadcast %broadcast_in_dim3A_10 : i32 to vector<512xi32>
    %slice3A = vector.extract_strided_slice %add3A {offsets = [0, 0], sizes = [1024, 32], strides = [1, 1]} : vector<8192x32xf32> to vector<1024x32xf32>
    %slice3A_12 = vector.extract_strided_slice %reduce_sum3A_8 {offsets = [0], sizes = [1024], strides = [1]} : vector<8192xf32> to vector<1024xf32>
    %dot_general3A = arith.constant dense<0.000000e+00> : vector<512x1024xf32>
    %dot_general3A_13 = tpu.matmul %get3A_1, %slice3A, %dot_general3A {dimension_numbers = #tpu.dot_dimension_numbers<[1], [1], [0], [0], [0, 0, 1, 0], [], []>, transpose_lhs_hint = false} : vector<512x32xf32>, vector<1024x32xf32>, vector<512x1024xf32> -> vector<512x1024xf32>
    %broadcast_in_dim3A_14 = vector.shape_cast %reduce_sum3A_5 : vector<512xf32> to vector<512x1xf32>
    %broadcast_in_dim3A_15 = vector.shape_cast %slice3A_12 : vector<1024xf32> to vector<1x1024xf32>
    %add3A_16 = vector.broadcast %broadcast_in_dim3A_14 : vector<512x1xf32> to vector<512x1024xf32>
    %add3A_17 = vector.broadcast %broadcast_in_dim3A_15 : vector<1x1024xf32> to vector<512x1024xf32>
    %add3A_18 = arith.addf %add3A_16, %add3A_17 : vector<512x1024xf32>
    %sub3A = arith.subf %add3A_18, %dot_general3A_13 : vector<512x1024xf32>
    %max3A = arith.constant 0.000000e+00 : f32
    %max3A_19 = vector.broadcast %max3A : f32 to vector<512x1024xf32>
    %max3A_20 = arith.maximumf %sub3A, %max3A_19 : vector<512x1024xf32>
    %sqrt3A = math.sqrt %max3A_20 : vector<512x1024xf32>
    %reduce_min3A = arith.constant dense<0x7F800000> : vector<512xf32>
    %reduce_min3A_21 = vector.multi_reduction <minimumf>, %sqrt3A, %reduce_min3A [1] : vector<512x1024xf32> to vector<512xf32>
    %broadcast_in_dim3A_22 = vector.shape_cast %reduce_min3A_21 : vector<512xf32> to vector<512x1xf32>
    %eq3A = vector.broadcast %broadcast_in_dim3A_22 : vector<512x1xf32> to vector<512x1024xf32>
    %eq3A_23 = arith.cmpf oeq, %sqrt3A, %eq3A : vector<512x1024xf32>
    %jit3A = arith.constant 2147483647 : i32
    %broadcast_in_dim3A_24 = vector.broadcast %jit3A : i32 to vector<512x1024xi32>
    %select_n3A = arith.select %eq3A_23, %iota3A, %broadcast_in_dim3A_24 : vector<512x1024xi1>, vector<512x1024xi32>
    %reduce_min3A_25 = arith.constant dense<2147483647> : vector<512xi32>
    %reduce_min3A_26 = vector.multi_reduction <minsi>, %select_n3A, %reduce_min3A_25 [1] : vector<512x1024xi32> to vector<512xi32>
    %add3A_27 = arith.constant 0 : i32
    %add3A_28 = vector.broadcast %add3A_27 : i32 to vector<512xi32>
    %add3A_29 = arith.addi %reduce_min3A_26, %add3A_28 : vector<512xi32>
    %lt3A = arith.cmpf olt, %reduce_min3A_21, %broadcast_in_dim3A_9 : vector<512xf32>
    %select_n3A_30 = arith.select %lt3A, %add3A_29, %broadcast_in_dim3A_11 : vector<512xi1>, vector<512xi32>
    %select_n3A_31 = arith.select %lt3A, %reduce_min3A_21, %broadcast_in_dim3A_9 : vector<512xi1>, vector<512xf32>
    %slice3A_32 = vector.extract_strided_slice %add3A {offsets = [1024, 0], sizes = [1024, 32], strides = [1, 1]} : vector<8192x32xf32> to vector<1024x32xf32>
    %slice3A_33 = vector.extract_strided_slice %reduce_sum3A_8 {offsets = [1024], sizes = [1024], strides = [1]} : vector<8192xf32> to vector<1024xf32>
    %dot_general3A_34 = arith.constant dense<0.000000e+00> : vector<512x1024xf32>
    %dot_general3A_35 = tpu.matmul %get3A_1, %slice3A_32, %dot_general3A_34 {dimension_numbers = #tpu.dot_dimension_numbers<[1], [1], [0], [0], [0, 0, 1, 0], [], []>, transpose_lhs_hint = false} : vector<512x32xf32>, vector<1024x32xf32>, vector<512x1024xf32> -> vector<512x1024xf32>
    %broadcast_in_dim3A_36 = vector.shape_cast %reduce_sum3A_5 : vector<512xf32> to vector<512x1xf32>
    %broadcast_in_dim3A_37 = vector.shape_cast %slice3A_33 : vector<1024xf32> to vector<1x1024xf32>
    %add3A_38 = vector.broadcast %broadcast_in_dim3A_36 : vector<512x1xf32> to vector<512x1024xf32>
    %add3A_39 = vector.broadcast %broadcast_in_dim3A_37 : vector<1x1024xf32> to vector<512x1024xf32>
    %add3A_40 = arith.addf %add3A_38, %add3A_39 : vector<512x1024xf32>
    %sub3A_41 = arith.subf %add3A_40, %dot_general3A_35 : vector<512x1024xf32>
    %max3A_42 = arith.constant 0.000000e+00 : f32
    %max3A_43 = vector.broadcast %max3A_42 : f32 to vector<512x1024xf32>
    %max3A_44 = arith.maximumf %sub3A_41, %max3A_43 : vector<512x1024xf32>
    %sqrt3A_45 = math.sqrt %max3A_44 : vector<512x1024xf32>
    %reduce_min3A_46 = arith.constant dense<0x7F800000> : vector<512xf32>
    %reduce_min3A_47 = vector.multi_reduction <minimumf>, %sqrt3A_45, %reduce_min3A_46 [1] : vector<512x1024xf32> to vector<512xf32>
    %broadcast_in_dim3A_48 = vector.shape_cast %reduce_min3A_47 : vector<512xf32> to vector<512x1xf32>
    %eq3A_49 = vector.broadcast %broadcast_in_dim3A_48 : vector<512x1xf32> to vector<512x1024xf32>
    %eq3A_50 = arith.cmpf oeq, %sqrt3A_45, %eq3A_49 : vector<512x1024xf32>
    %jit3A_51 = arith.constant 2147483647 : i32
    %broadcast_in_dim3A_52 = vector.broadcast %jit3A_51 : i32 to vector<512x1024xi32>
    %select_n3A_53 = arith.select %eq3A_50, %iota3A, %broadcast_in_dim3A_52 : vector<512x1024xi1>, vector<512x1024xi32>
    %reduce_min3A_54 = arith.constant dense<2147483647> : vector<512xi32>
    %reduce_min3A_55 = vector.multi_reduction <minsi>, %select_n3A_53, %reduce_min3A_54 [1] : vector<512x1024xi32> to vector<512xi32>
    %add3A_56 = arith.constant 1024 : i32
    %add3A_57 = vector.broadcast %add3A_56 : i32 to vector<512xi32>
    %add3A_58 = arith.addi %reduce_min3A_55, %add3A_57 : vector<512xi32>
    %lt3A_59 = arith.cmpf olt, %reduce_min3A_47, %select_n3A_31 : vector<512xf32>
    %select_n3A_60 = arith.select %lt3A_59, %add3A_58, %select_n3A_30 : vector<512xi1>, vector<512xi32>
    %select_n3A_61 = arith.select %lt3A_59, %reduce_min3A_47, %select_n3A_31 : vector<512xi1>, vector<512xf32>
    %slice3A_62 = vector.extract_strided_slice %add3A {offsets = [2048, 0], sizes = [1024, 32], strides = [1, 1]} : vector<8192x32xf32> to vector<1024x32xf32>
    %slice3A_63 = vector.extract_strided_slice %reduce_sum3A_8 {offsets = [2048], sizes = [1024], strides = [1]} : vector<8192xf32> to vector<1024xf32>
    %dot_general3A_64 = arith.constant dense<0.000000e+00> : vector<512x1024xf32>
    %dot_general3A_65 = tpu.matmul %get3A_1, %slice3A_62, %dot_general3A_64 {dimension_numbers = #tpu.dot_dimension_numbers<[1], [1], [0], [0], [0, 0, 1, 0], [], []>, transpose_lhs_hint = false} : vector<512x32xf32>, vector<1024x32xf32>, vector<512x1024xf32> -> vector<512x1024xf32>
    %broadcast_in_dim3A_66 = vector.shape_cast %reduce_sum3A_5 : vector<512xf32> to vector<512x1xf32>
    %broadcast_in_dim3A_67 = vector.shape_cast %slice3A_63 : vector<1024xf32> to vector<1x1024xf32>
    %add3A_68 = vector.broadcast %broadcast_in_dim3A_66 : vector<512x1xf32> to vector<512x1024xf32>
    %add3A_69 = vector.broadcast %broadcast_in_dim3A_67 : vector<1x1024xf32> to vector<512x1024xf32>
    %add3A_70 = arith.addf %add3A_68, %add3A_69 : vector<512x1024xf32>
    %sub3A_71 = arith.subf %add3A_70, %dot_general3A_65 : vector<512x1024xf32>
    %max3A_72 = arith.constant 0.000000e+00 : f32
    %max3A_73 = vector.broadcast %max3A_72 : f32 to vector<512x1024xf32>
    %max3A_74 = arith.maximumf %sub3A_71, %max3A_73 : vector<512x1024xf32>
    %sqrt3A_75 = math.sqrt %max3A_74 : vector<512x1024xf32>
    %reduce_min3A_76 = arith.constant dense<0x7F800000> : vector<512xf32>
    %reduce_min3A_77 = vector.multi_reduction <minimumf>, %sqrt3A_75, %reduce_min3A_76 [1] : vector<512x1024xf32> to vector<512xf32>
    %broadcast_in_dim3A_78 = vector.shape_cast %reduce_min3A_77 : vector<512xf32> to vector<512x1xf32>
    %eq3A_79 = vector.broadcast %broadcast_in_dim3A_78 : vector<512x1xf32> to vector<512x1024xf32>
    %eq3A_80 = arith.cmpf oeq, %sqrt3A_75, %eq3A_79 : vector<512x1024xf32>
    %jit3A_81 = arith.constant 2147483647 : i32
    %broadcast_in_dim3A_82 = vector.broadcast %jit3A_81 : i32 to vector<512x1024xi32>
    %select_n3A_83 = arith.select %eq3A_80, %iota3A, %broadcast_in_dim3A_82 : vector<512x1024xi1>, vector<512x1024xi32>
    %reduce_min3A_84 = arith.constant dense<2147483647> : vector<512xi32>
    %reduce_min3A_85 = vector.multi_reduction <minsi>, %select_n3A_83, %reduce_min3A_84 [1] : vector<512x1024xi32> to vector<512xi32>
    %add3A_86 = arith.constant 2048 : i32
    %add3A_87 = vector.broadcast %add3A_86 : i32 to vector<512xi32>
    %add3A_88 = arith.addi %reduce_min3A_85, %add3A_87 : vector<512xi32>
    %lt3A_89 = arith.cmpf olt, %reduce_min3A_77, %select_n3A_61 : vector<512xf32>
    %select_n3A_90 = arith.select %lt3A_89, %add3A_88, %select_n3A_60 : vector<512xi1>, vector<512xi32>
    %select_n3A_91 = arith.select %lt3A_89, %reduce_min3A_77, %select_n3A_61 : vector<512xi1>, vector<512xf32>
    %slice3A_92 = vector.extract_strided_slice %add3A {offsets = [3072, 0], sizes = [1024, 32], strides = [1, 1]} : vector<8192x32xf32> to vector<1024x32xf32>
    %slice3A_93 = vector.extract_strided_slice %reduce_sum3A_8 {offsets = [3072], sizes = [1024], strides = [1]} : vector<8192xf32> to vector<1024xf32>
    %dot_general3A_94 = arith.constant dense<0.000000e+00> : vector<512x1024xf32>
    %dot_general3A_95 = tpu.matmul %get3A_1, %slice3A_92, %dot_general3A_94 {dimension_numbers = #tpu.dot_dimension_numbers<[1], [1], [0], [0], [0, 0, 1, 0], [], []>, transpose_lhs_hint = false} : vector<512x32xf32>, vector<1024x32xf32>, vector<512x1024xf32> -> vector<512x1024xf32>
    %broadcast_in_dim3A_96 = vector.shape_cast %reduce_sum3A_5 : vector<512xf32> to vector<512x1xf32>
    %broadcast_in_dim3A_97 = vector.shape_cast %slice3A_93 : vector<1024xf32> to vector<1x1024xf32>
    %add3A_98 = vector.broadcast %broadcast_in_dim3A_96 : vector<512x1xf32> to vector<512x1024xf32>
    %add3A_99 = vector.broadcast %broadcast_in_dim3A_97 : vector<1x1024xf32> to vector<512x1024xf32>
    %add3A_100 = arith.addf %add3A_98, %add3A_99 : vector<512x1024xf32>
    %sub3A_101 = arith.subf %add3A_100, %dot_general3A_95 : vector<512x1024xf32>
    %max3A_102 = arith.constant 0.000000e+00 : f32
    %max3A_103 = vector.broadcast %max3A_102 : f32 to vector<512x1024xf32>
    %max3A_104 = arith.maximumf %sub3A_101, %max3A_103 : vector<512x1024xf32>
    %sqrt3A_105 = math.sqrt %max3A_104 : vector<512x1024xf32>
    %reduce_min3A_106 = arith.constant dense<0x7F800000> : vector<512xf32>
    %reduce_min3A_107 = vector.multi_reduction <minimumf>, %sqrt3A_105, %reduce_min3A_106 [1] : vector<512x1024xf32> to vector<512xf32>
    %broadcast_in_dim3A_108 = vector.shape_cast %reduce_min3A_107 : vector<512xf32> to vector<512x1xf32>
    %eq3A_109 = vector.broadcast %broadcast_in_dim3A_108 : vector<512x1xf32> to vector<512x1024xf32>
    %eq3A_110 = arith.cmpf oeq, %sqrt3A_105, %eq3A_109 : vector<512x1024xf32>
    %jit3A_111 = arith.constant 2147483647 : i32
    %broadcast_in_dim3A_112 = vector.broadcast %jit3A_111 : i32 to vector<512x1024xi32>
    %select_n3A_113 = arith.select %eq3A_110, %iota3A, %broadcast_in_dim3A_112 : vector<512x1024xi1>, vector<512x1024xi32>
    %reduce_min3A_114 = arith.constant dense<2147483647> : vector<512xi32>
    %reduce_min3A_115 = vector.multi_reduction <minsi>, %select_n3A_113, %reduce_min3A_114 [1] : vector<512x1024xi32> to vector<512xi32>
    %add3A_116 = arith.constant 3072 : i32
    %add3A_117 = vector.broadcast %add3A_116 : i32 to vector<512xi32>
    %add3A_118 = arith.addi %reduce_min3A_115, %add3A_117 : vector<512xi32>
    %lt3A_119 = arith.cmpf olt, %reduce_min3A_107, %select_n3A_91 : vector<512xf32>
    %select_n3A_120 = arith.select %lt3A_119, %add3A_118, %select_n3A_90 : vector<512xi1>, vector<512xi32>
    %select_n3A_121 = arith.select %lt3A_119, %reduce_min3A_107, %select_n3A_91 : vector<512xi1>, vector<512xf32>
    %slice3A_122 = vector.extract_strided_slice %add3A {offsets = [4096, 0], sizes = [1024, 32], strides = [1, 1]} : vector<8192x32xf32> to vector<1024x32xf32>
    %slice3A_123 = vector.extract_strided_slice %reduce_sum3A_8 {offsets = [4096], sizes = [1024], strides = [1]} : vector<8192xf32> to vector<1024xf32>
    %dot_general3A_124 = arith.constant dense<0.000000e+00> : vector<512x1024xf32>
    %dot_general3A_125 = tpu.matmul %get3A_1, %slice3A_122, %dot_general3A_124 {dimension_numbers = #tpu.dot_dimension_numbers<[1], [1], [0], [0], [0, 0, 1, 0], [], []>, transpose_lhs_hint = false} : vector<512x32xf32>, vector<1024x32xf32>, vector<512x1024xf32> -> vector<512x1024xf32>
    %broadcast_in_dim3A_126 = vector.shape_cast %reduce_sum3A_5 : vector<512xf32> to vector<512x1xf32>
    %broadcast_in_dim3A_127 = vector.shape_cast %slice3A_123 : vector<1024xf32> to vector<1x1024xf32>
    %add3A_128 = vector.broadcast %broadcast_in_dim3A_126 : vector<512x1xf32> to vector<512x1024xf32>
    %add3A_129 = vector.broadcast %broadcast_in_dim3A_127 : vector<1x1024xf32> to vector<512x1024xf32>
    %add3A_130 = arith.addf %add3A_128, %add3A_129 : vector<512x1024xf32>
    %sub3A_131 = arith.subf %add3A_130, %dot_general3A_125 : vector<512x1024xf32>
    %max3A_132 = arith.constant 0.000000e+00 : f32
    %max3A_133 = vector.broadcast %max3A_132 : f32 to vector<512x1024xf32>
    %max3A_134 = arith.maximumf %sub3A_131, %max3A_133 : vector<512x1024xf32>
    %sqrt3A_135 = math.sqrt %max3A_134 : vector<512x1024xf32>
    %reduce_min3A_136 = arith.constant dense<0x7F800000> : vector<512xf32>
    %reduce_min3A_137 = vector.multi_reduction <minimumf>, %sqrt3A_135, %reduce_min3A_136 [1] : vector<512x1024xf32> to vector<512xf32>
    %broadcast_in_dim3A_138 = vector.shape_cast %reduce_min3A_137 : vector<512xf32> to vector<512x1xf32>
    %eq3A_139 = vector.broadcast %broadcast_in_dim3A_138 : vector<512x1xf32> to vector<512x1024xf32>
    %eq3A_140 = arith.cmpf oeq, %sqrt3A_135, %eq3A_139 : vector<512x1024xf32>
    %jit3A_141 = arith.constant 2147483647 : i32
    %broadcast_in_dim3A_142 = vector.broadcast %jit3A_141 : i32 to vector<512x1024xi32>
    %select_n3A_143 = arith.select %eq3A_140, %iota3A, %broadcast_in_dim3A_142 : vector<512x1024xi1>, vector<512x1024xi32>
    %reduce_min3A_144 = arith.constant dense<2147483647> : vector<512xi32>
    %reduce_min3A_145 = vector.multi_reduction <minsi>, %select_n3A_143, %reduce_min3A_144 [1] : vector<512x1024xi32> to vector<512xi32>
    %add3A_146 = arith.constant 4096 : i32
    %add3A_147 = vector.broadcast %add3A_146 : i32 to vector<512xi32>
    %add3A_148 = arith.addi %reduce_min3A_145, %add3A_147 : vector<512xi32>
    %lt3A_149 = arith.cmpf olt, %reduce_min3A_137, %select_n3A_121 : vector<512xf32>
    %select_n3A_150 = arith.select %lt3A_149, %add3A_148, %select_n3A_120 : vector<512xi1>, vector<512xi32>
    %select_n3A_151 = arith.select %lt3A_149, %reduce_min3A_137, %select_n3A_121 : vector<512xi1>, vector<512xf32>
    %slice3A_152 = vector.extract_strided_slice %add3A {offsets = [5120, 0], sizes = [1024, 32], strides = [1, 1]} : vector<8192x32xf32> to vector<1024x32xf32>
    %slice3A_153 = vector.extract_strided_slice %reduce_sum3A_8 {offsets = [5120], sizes = [1024], strides = [1]} : vector<8192xf32> to vector<1024xf32>
    %dot_general3A_154 = arith.constant dense<0.000000e+00> : vector<512x1024xf32>
    %dot_general3A_155 = tpu.matmul %get3A_1, %slice3A_152, %dot_general3A_154 {dimension_numbers = #tpu.dot_dimension_numbers<[1], [1], [0], [0], [0, 0, 1, 0], [], []>, transpose_lhs_hint = false} : vector<512x32xf32>, vector<1024x32xf32>, vector<512x1024xf32> -> vector<512x1024xf32>
    %broadcast_in_dim3A_156 = vector.shape_cast %reduce_sum3A_5 : vector<512xf32> to vector<512x1xf32>
    %broadcast_in_dim3A_157 = vector.shape_cast %slice3A_153 : vector<1024xf32> to vector<1x1024xf32>
    %add3A_158 = vector.broadcast %broadcast_in_dim3A_156 : vector<512x1xf32> to vector<512x1024xf32>
    %add3A_159 = vector.broadcast %broadcast_in_dim3A_157 : vector<1x1024xf32> to vector<512x1024xf32>
    %add3A_160 = arith.addf %add3A_158, %add3A_159 : vector<512x1024xf32>
    %sub3A_161 = arith.subf %add3A_160, %dot_general3A_155 : vector<512x1024xf32>
    %max3A_162 = arith.constant 0.000000e+00 : f32
    %max3A_163 = vector.broadcast %max3A_162 : f32 to vector<512x1024xf32>
    %max3A_164 = arith.maximumf %sub3A_161, %max3A_163 : vector<512x1024xf32>
    %sqrt3A_165 = math.sqrt %max3A_164 : vector<512x1024xf32>
    %reduce_min3A_166 = arith.constant dense<0x7F800000> : vector<512xf32>
    %reduce_min3A_167 = vector.multi_reduction <minimumf>, %sqrt3A_165, %reduce_min3A_166 [1] : vector<512x1024xf32> to vector<512xf32>
    %broadcast_in_dim3A_168 = vector.shape_cast %reduce_min3A_167 : vector<512xf32> to vector<512x1xf32>
    %eq3A_169 = vector.broadcast %broadcast_in_dim3A_168 : vector<512x1xf32> to vector<512x1024xf32>
    %eq3A_170 = arith.cmpf oeq, %sqrt3A_165, %eq3A_169 : vector<512x1024xf32>
    %jit3A_171 = arith.constant 2147483647 : i32
    %broadcast_in_dim3A_172 = vector.broadcast %jit3A_171 : i32 to vector<512x1024xi32>
    %select_n3A_173 = arith.select %eq3A_170, %iota3A, %broadcast_in_dim3A_172 : vector<512x1024xi1>, vector<512x1024xi32>
    %reduce_min3A_174 = arith.constant dense<2147483647> : vector<512xi32>
    %reduce_min3A_175 = vector.multi_reduction <minsi>, %select_n3A_173, %reduce_min3A_174 [1] : vector<512x1024xi32> to vector<512xi32>
    %add3A_176 = arith.constant 5120 : i32
    %add3A_177 = vector.broadcast %add3A_176 : i32 to vector<512xi32>
    %add3A_178 = arith.addi %reduce_min3A_175, %add3A_177 : vector<512xi32>
    %lt3A_179 = arith.cmpf olt, %reduce_min3A_167, %select_n3A_151 : vector<512xf32>
    %select_n3A_180 = arith.select %lt3A_179, %add3A_178, %select_n3A_150 : vector<512xi1>, vector<512xi32>
    %select_n3A_181 = arith.select %lt3A_179, %reduce_min3A_167, %select_n3A_151 : vector<512xi1>, vector<512xf32>
    %slice3A_182 = vector.extract_strided_slice %add3A {offsets = [6144, 0], sizes = [1024, 32], strides = [1, 1]} : vector<8192x32xf32> to vector<1024x32xf32>
    %slice3A_183 = vector.extract_strided_slice %reduce_sum3A_8 {offsets = [6144], sizes = [1024], strides = [1]} : vector<8192xf32> to vector<1024xf32>
    %dot_general3A_184 = arith.constant dense<0.000000e+00> : vector<512x1024xf32>
    %dot_general3A_185 = tpu.matmul %get3A_1, %slice3A_182, %dot_general3A_184 {dimension_numbers = #tpu.dot_dimension_numbers<[1], [1], [0], [0], [0, 0, 1, 0], [], []>, transpose_lhs_hint = false} : vector<512x32xf32>, vector<1024x32xf32>, vector<512x1024xf32> -> vector<512x1024xf32>
    %broadcast_in_dim3A_186 = vector.shape_cast %reduce_sum3A_5 : vector<512xf32> to vector<512x1xf32>
    %broadcast_in_dim3A_187 = vector.shape_cast %slice3A_183 : vector<1024xf32> to vector<1x1024xf32>
    %add3A_188 = vector.broadcast %broadcast_in_dim3A_186 : vector<512x1xf32> to vector<512x1024xf32>
    %add3A_189 = vector.broadcast %broadcast_in_dim3A_187 : vector<1x1024xf32> to vector<512x1024xf32>
    %add3A_190 = arith.addf %add3A_188, %add3A_189 : vector<512x1024xf32>
    %sub3A_191 = arith.subf %add3A_190, %dot_general3A_185 : vector<512x1024xf32>
    %max3A_192 = arith.constant 0.000000e+00 : f32
    %max3A_193 = vector.broadcast %max3A_192 : f32 to vector<512x1024xf32>
    %max3A_194 = arith.maximumf %sub3A_191, %max3A_193 : vector<512x1024xf32>
    %sqrt3A_195 = math.sqrt %max3A_194 : vector<512x1024xf32>
    %reduce_min3A_196 = arith.constant dense<0x7F800000> : vector<512xf32>
    %reduce_min3A_197 = vector.multi_reduction <minimumf>, %sqrt3A_195, %reduce_min3A_196 [1] : vector<512x1024xf32> to vector<512xf32>
    %broadcast_in_dim3A_198 = vector.shape_cast %reduce_min3A_197 : vector<512xf32> to vector<512x1xf32>
    %eq3A_199 = vector.broadcast %broadcast_in_dim3A_198 : vector<512x1xf32> to vector<512x1024xf32>
    %eq3A_200 = arith.cmpf oeq, %sqrt3A_195, %eq3A_199 : vector<512x1024xf32>
    %jit3A_201 = arith.constant 2147483647 : i32
    %broadcast_in_dim3A_202 = vector.broadcast %jit3A_201 : i32 to vector<512x1024xi32>
    %select_n3A_203 = arith.select %eq3A_200, %iota3A, %broadcast_in_dim3A_202 : vector<512x1024xi1>, vector<512x1024xi32>
    %reduce_min3A_204 = arith.constant dense<2147483647> : vector<512xi32>
    %reduce_min3A_205 = vector.multi_reduction <minsi>, %select_n3A_203, %reduce_min3A_204 [1] : vector<512x1024xi32> to vector<512xi32>
    %add3A_206 = arith.constant 6144 : i32
    %add3A_207 = vector.broadcast %add3A_206 : i32 to vector<512xi32>
    %add3A_208 = arith.addi %reduce_min3A_205, %add3A_207 : vector<512xi32>
    %lt3A_209 = arith.cmpf olt, %reduce_min3A_197, %select_n3A_181 : vector<512xf32>
    %select_n3A_210 = arith.select %lt3A_209, %add3A_208, %select_n3A_180 : vector<512xi1>, vector<512xi32>
    %select_n3A_211 = arith.select %lt3A_209, %reduce_min3A_197, %select_n3A_181 : vector<512xi1>, vector<512xf32>
    %slice3A_212 = vector.extract_strided_slice %add3A {offsets = [7168, 0], sizes = [1024, 32], strides = [1, 1]} : vector<8192x32xf32> to vector<1024x32xf32>
    %slice3A_213 = vector.extract_strided_slice %reduce_sum3A_8 {offsets = [7168], sizes = [1024], strides = [1]} : vector<8192xf32> to vector<1024xf32>
    %dot_general3A_214 = arith.constant dense<0.000000e+00> : vector<512x1024xf32>
    %dot_general3A_215 = tpu.matmul %get3A_1, %slice3A_212, %dot_general3A_214 {dimension_numbers = #tpu.dot_dimension_numbers<[1], [1], [0], [0], [0, 0, 1, 0], [], []>, transpose_lhs_hint = false} : vector<512x32xf32>, vector<1024x32xf32>, vector<512x1024xf32> -> vector<512x1024xf32>
    %broadcast_in_dim3A_216 = vector.shape_cast %reduce_sum3A_5 : vector<512xf32> to vector<512x1xf32>
    %broadcast_in_dim3A_217 = vector.shape_cast %slice3A_213 : vector<1024xf32> to vector<1x1024xf32>
    %add3A_218 = vector.broadcast %broadcast_in_dim3A_216 : vector<512x1xf32> to vector<512x1024xf32>
    %add3A_219 = vector.broadcast %broadcast_in_dim3A_217 : vector<1x1024xf32> to vector<512x1024xf32>
    %add3A_220 = arith.addf %add3A_218, %add3A_219 : vector<512x1024xf32>
    %sub3A_221 = arith.subf %add3A_220, %dot_general3A_215 : vector<512x1024xf32>
    %max3A_222 = arith.constant 0.000000e+00 : f32
    %max3A_223 = vector.broadcast %max3A_222 : f32 to vector<512x1024xf32>
    %max3A_224 = arith.maximumf %sub3A_221, %max3A_223 : vector<512x1024xf32>
    %sqrt3A_225 = math.sqrt %max3A_224 : vector<512x1024xf32>
    %reduce_min3A_226 = arith.constant dense<0x7F800000> : vector<512xf32>
    %reduce_min3A_227 = vector.multi_reduction <minimumf>, %sqrt3A_225, %reduce_min3A_226 [1] : vector<512x1024xf32> to vector<512xf32>
    %broadcast_in_dim3A_228 = vector.shape_cast %reduce_min3A_227 : vector<512xf32> to vector<512x1xf32>
    %eq3A_229 = vector.broadcast %broadcast_in_dim3A_228 : vector<512x1xf32> to vector<512x1024xf32>
    %eq3A_230 = arith.cmpf oeq, %sqrt3A_225, %eq3A_229 : vector<512x1024xf32>
    %jit3A_231 = arith.constant 2147483647 : i32
    %broadcast_in_dim3A_232 = vector.broadcast %jit3A_231 : i32 to vector<512x1024xi32>
    %select_n3A_233 = arith.select %eq3A_230, %iota3A, %broadcast_in_dim3A_232 : vector<512x1024xi1>, vector<512x1024xi32>
    %reduce_min3A_234 = arith.constant dense<2147483647> : vector<512xi32>
    %reduce_min3A_235 = vector.multi_reduction <minsi>, %select_n3A_233, %reduce_min3A_234 [1] : vector<512x1024xi32> to vector<512xi32>
    %add3A_236 = arith.constant 7168 : i32
    %add3A_237 = vector.broadcast %add3A_236 : i32 to vector<512xi32>
    %add3A_238 = arith.addi %reduce_min3A_235, %add3A_237 : vector<512xi32>
    %lt3A_239 = arith.cmpf olt, %reduce_min3A_227, %select_n3A_211 : vector<512xf32>
    %select_n3A_240 = arith.select %lt3A_239, %add3A_238, %select_n3A_210 : vector<512xi1>, vector<512xi32>
    %swap3A = arith.constant 0 : index
    %swap3A_241 = vector.load %arg3[%swap3A] : memref<512xi32, #tpu.memory_space<vmem>>, vector<512xi32>
    tpu.vector_store %arg3[%swap3A], %select_n3A_240 {strides = array<i32>} : memref<512xi32, #tpu.memory_space<vmem>>, vector<512xi32>,
    return
  }
  func.func @transform_0(%arg0: i32) -> (i32, i32) {
    %c0_i32 = arith.constant 0 : i32
    %c0_i32_0 = arith.constant 0 : i32
    return %arg0, %c0_i32 : i32, i32
  }
  func.func @transform_1(%arg0: i32) -> (i32, i32) {
    %c0_i32 = arith.constant 0 : i32
    %c0_i32_0 = arith.constant 0 : i32
    %c0_i32_1 = arith.constant 0 : i32
    return %c0_i32, %c0_i32_0 : i32, i32
  }
  func.func @transform_2(%arg0: i32) -> i32 {
    %c0_i32 = arith.constant 0 : i32
    return %arg0 : i32
  }
}

</mosaic_0001>

<sc_bundles>
// kernel: kernel.4.cloned.1.call-start
scs
__scs_entry_jumppad:
0x0: {  	(pc) =	sbr.rel $0x88, $3  }
0x1: {  	(tag) =	ssettag $0x0;
	lr =	simm.s32 $0x1  }
0x2: {  	[smem:$0x3F9F] =	sst lr;
	_ =	strace $0xD0000000  }
0x3: {  	_ = 	snop  }
0x4: {  	_ = 	snop  }
0x5: {  	_ = 	snop  }
0x6: {  	_ = 	snop  }
0x7: {  	_ = 	snop  }
__scs_overlays_trampoline_lowered:
0x8: {  	[smem:$0x3FAE] =	sst s0  }
0x9: {  	[smem:$0x3FAF] =	sst s1  }
0xa: {  	[smem:$0x3FB0] =	sst s2  }
0xb: {  	[smem:$0x3FB1] =	sst s3  }
0xc: {  	[smem:$0x3FB2] =	sst s4  }
0xd: {  	[smem:$0x3FB3] =	sst s5  }
0xe: {  	[smem:$0x3FB4] =	sst s6  }
0xf: {  	[smem:$0x3FB5] =	sst s7  }
0x10: {  	[smem:$0x3FB6] =	sst s8  }
0x11: {  	[smem:$0x3FB7] =	sst s9;
	s0 =	simm.s32 @!p0 $0x0  }
0x12: {  	s1 =	sld [smem:$0x3F9D];
	s0 =	simm.s32 @p0 $0x1  }
0x13: {  	[smem:$0x3FB8] =	sst s0;
	s0 =	simm.s32 @!p1 $0x0  }
0x14: {  	s2 =	sld [smem:$0x3F9C];
	s0 =	simm.s32 @p1 $0x1  }
0x15: {  	[smem:$0x3FB9] =	sst s0;
	s0 =	simm.s32 @!p2 $0x0  }
0x16: {  	s3 =	sld [smem:$0x3FDB];
	s0 =	simm.s32 @p2 $0x1  }
0x17: {  	s4 =	simm.s32 $0x1BF5;
	[smem:$0x3FBB] =	sst s0  }
0x18: {  	s0 =	sld [smem:$0x3F9E];
	_ =	swait.ge [sflag:s4], $0x0  }
0x19: {  	s7 =	sld [smem:$0x3F9F]  }
0x1a: {  	s8 =	sadd.s32 $0xFFFFE003, lr  }
0x1b: {  	s9 =	sadd.s32 $0xFFFFFEF7, lr;
	s5 =	simm.s32 $0xFFFFFFFF;
	p2 =	slt.u32 s8, $0xFFFFF086  }
0x1c: {  	p1 =	slt.u32 s9, $0xF7A;
	s5 =	simm.s32 @!p2 $0x0  }
0x1d: {  	s5 =	simm.s32 @p1 $0x1;
	p0 =	seq.s32 s7, s2  }
0x1e: {  	s7 =	smul.u32 @!p0 $0xF7A, s2;
	p2 =	seq.s32 @!p0 s5, $0x0  }
0x1f: {  	s9 =	smul.u32 $0xF7A, s1;
	s8 =	simm.s32 @!p0 $0x1BF5;
	p2 =	por !p2, p0  }
0x20: {  	[sflag:s8] =	ssyncset.s32 @!p0 $0xFFFFF086;
	s6 =	sadd.s32 @!p0 s3, s7;
	s7 =	simm.s32 @!p0 $0x108  }
0x21: {  	s3 =	sadd.s32 s3, s9;
	s6 =	sadd.s32 @!p0 $0x88, s6;
	s7 =	simm.s32 @p2 $0x1082  }
0x22: {  	[simem:s7], [sflag:s8] =	dma.local @!p0 [hbm:s6], $0xF7A  }
0x23: {  	s9 =	sor.u32 $0xD0000000, s2;
	s6 =	simm.s32 $0x108;
	_ =	swait.ge @!p0 [sflag:s8], $0x0  }
0x24: {  	s3 =	sadd.s32 $0x88, s3;
	s6 =	simm.s32 @!p1 $0x1082;
	[sflag:s4] =	ssyncset.s32 $0xFFFFF086  }
0x25: {  	[simem:s6], [sflag:s4] =	dma.local [hbm:s3], $0xF7A  }
0x26: {  	[smem:$0x3F9F] =	sst s1;
	(tag) =	ssettag s2;
	_ =	strace s9  }
0x27: {  	s1 =	sld [smem:$0x3FAF]  }
0x28: {  	s2 =	sld [smem:$0x3FB0]  }
0x29: {  	s4 =	sld [smem:$0x3FB2]  }
0x2a: {  	p0 =	seq.s32 s5, $0x0;
	s5 =	sld [smem:$0x3FB3]  }
0x2b: {  	s6 =	sld [smem:$0x3FB4]  }
0x2c: {  	s7 =	sld [smem:$0x3FB5]  }
0x2d: {  	s3 =	simm.s32 $0x108;
	s8 =	sld [smem:$0x3FB6]  }
0x2e: {  	s3 =	simm.s32 @!p0 $0x1082;
	s9 =	sld [smem:$0x3FB7]  }
0x2f: {  	lr =	sadd.s32 s0, s3;
	s0 =	sld [smem:$0x3FAE]  }
0x30: {  	s3 =	sld [smem:$0x3FB1]  }
0x31: {  	[smem:$0x3FBA] =	sst s10  }
0x32: {  	s10 =	sld [smem:$0x3FB8];
	_ =	sdelay $0x3  }
0x33: {  	p0 =	seq.s32 s10, $0x1;
	s10 =	sld [smem:$0x3FBA];
	_ =	sdelay $0x3  }
0x34: {  	[smem:$0x3FBA] =	sst s10  }
0x35: {  	s10 =	sld [smem:$0x3FB9];
	_ =	sdelay $0x3  }
0x36: {  	p1 =	seq.s32 s10, $0x1;
	s10 =	sld [smem:$0x3FBA];
	_ =	sdelay $0x3  }
0x37: {  	[smem:$0x3FBA] =	sst s10  }
0x38: {  	s10 =	sld [smem:$0x3FBB]  }
0x39: {  	_ = 	snop;
	(pc) =	sbr.ind lr, $3  }
0x3a: {  	_ = 	snop  }
0x3b: {  	_ = 	snop  }
0x3c: {  	p2 =	seq.s32 s10, $0x1;
	s10 =	sld [smem:$0x3FBA]  }
0x3d: {  	_ =	shalt  }
0x3e: {  	_ =	shalt  }
0x3f: {  	_ =	shalt  }
0x40: {  	_ =	shalt  }
0x41: {  	_ =	shalt  }
0x42: {  	_ =	shalt  }
0x43: {  	_ =	shalt  }
0x44: {  	_ =	shalt  }
0x45: {  	_ =	shalt  }
0x46: {  	_ =	shalt  }
0x47: {  	_ =	shalt  }
0x48: {  	_ =	shalt  }
0x49: {  	_ =	shalt  }
0x4a: {  	_ =	shalt  }
0x4b: {  	_ =	shalt  }
0x4c: {  	_ =	shalt  }
0x4d: {  	_ =	shalt  }
0x4e: {  	_ =	shalt  }
0x4f: {  	_ =	shalt  }
0x50: {  	_ =	shalt  }
0x51: {  	_ =	shalt  }
0x52: {  	_ =	shalt  }
0x53: {  	_ =	shalt  }
0x54: {  	_ =	shalt  }
0x55: {  	_ =	shalt  }
0x56: {  	_ =	shalt  }
0x57: {  	_ =	shalt  }
0x58: {  	_ =	shalt  }
0x59: {  	_ =	shalt  }
0x5a: {  	_ =	shalt  }
0x5b: {  	_ =	shalt  }
0x5c: {  	_ =	shalt  }
0x5d: {  	_ =	shalt  }
0x5e: {  	_ =	shalt  }
0x5f: {  	_ =	shalt  }
0x60: {  	_ =	shalt  }
0x61: {  	_ =	shalt  }
0x62: {  	_ =	shalt  }
0x63: {  	_ =	shalt  }
0x64: {  	_ =	shalt  }
0x65: {  	_ =	shalt  }
0x66: {  	_ =	shalt  }
0x67: {  	_ =	shalt  }
0x68: {  	_ =	shalt  }
0x69: {  	_ =	shalt  }
0x6a: {  	_ =	shalt  }
0x6b: {  	_ =	shalt  }
0x6c: {  	_ =	shalt  }
0x6d: {  	_ =	shalt  }
0x6e: {  	_ =	shalt  }
0x6f: {  	_ =	shalt  }
0x70: {  	_ =	shalt  }
0x71: {  	_ =	shalt  }
0x72: {  	_ =	shalt  }
0x73: {  	_ =	shalt  }
0x74: {  	_ =	shalt  }
0x75: {  	_ =	shalt  }
0x76: {  	_ =	shalt  }
0x77: {  	_ =	shalt  }
0x78: {  	_ =	shalt  }
0x79: {  	_ =	shalt  }
0x7a: {  	_ =	shalt  }
0x7b: {  	_ =	shalt  }
0x7c: {  	_ =	shalt  }
0x7d: {  	_ =	shalt  }
0x7e: {  	_ =	shalt  }
0x7f: {  	_ =	shalt  }
0x80: {  	_ =	shalt  }
0x81: {  	_ =	shalt  }
0x82: {  	_ =	shalt  }
0x83: {  	_ =	shalt  }
0x84: {  	_ =	shalt  }
0x85: {  	_ =	shalt  }
0x86: {  	_ =	shalt  }
0x87: {  	_ =	shalt  }
.Lfunc_end0:
.L_simem_size_0:
called_computation_lowered:
.L_overlay_start_0:
0x88: {  	s2 =	sld [smem:$0x3FD9]  }
0x89: {  	s3 =	sld [smem:$0x3FFE];
	_ =	sdelay $0x1  }
0x8a: {  	s1 =	srdreg.scid  }
0x8b: {  	s0 =	sand.u32 $0x1, s1  }
0x8c: {  	s14 =	sshll.u32 s0, $0xA;
	s2 =	sadd.s32 s3, s2  }
0x8d: {  	s2 =	sadd.s32 s2, s14  }
0x8e: {  	[smem:$0x3FC6] =	sst s2  }
0x8f: {  	_ = 	snop  }
0x90: {  	s2 =	sld [smem:$0x3FD0];
	_ =	sdelay $0x2  }
0x91: {  	s15 =	simm.s32 $0xA;
	s4 =	simm.s32 $0x10  }
0x92: {  	[smem:s4], [sflag:s15] =	dma.local [hbm:s2], $0x1  }
0x93: {  	_ =	swait.eq [sflag:s15], $0x1  }
0x94: {  	[sflag:s15] =	ssyncset.done $0x0  }
0x95: {  	s16 =	sld [smem:$0x10];
	[sflag:s15] =	ssyncadd.s32 $0xFFFFFFFF  }
0x96: {  	s17 =	sld [smem:$0x11];
	(tm) =	ssettm $0x1  }
0x97: {  	s18 =	sld [smem:$0x3FFB];
	_ =	sdelay $0x3  }
0x98: {  	_ =	strace s18  }
0x99: {  	s4 =	sld [smem:$0x3FFC];
	_ =	sdelay $0x3  }
0x9a: {  	_ =	strace s4  }
0x9b: {  	s4 =	sld [smem:$0x3FFD];
	_ =	sdelay $0x3  }
0x9c: {  	_ =	strace s4  }
0x9d: {  	_ =	strace $0x8FFFFFFF  }
0x9e: {  	s19 =	sld [smem:$0x3FDB];
	_ =	sdelay $0x1  }
0x9f: {  	s5 =	simm.s32 $_scs_section_size  }
0xa0: {  	s6 =	simm.s32 $_size__tile_overlayer_lowered;
	s7 =	simm.s32 $_tile_overlayer_lowered  }
0xa1: {  	s22 =	simm.s32 $0x1BFF;
	s21 =	sshll.u32 s7, $0x1;
	s4 =	sadd.s32 s5, s19  }
0xa2: {  	s8 =	simm.s32 $0x0;
	s20 =	sshll.u32 s6, $0x1;
	s6 =	sadd.s32 s21, s4  }
0xa3: {  	[timem:s8], [sflag:s22] =	dma.local [hbm:s6], s20  }
0xa4: {  	_ =	swait.ge [sflag:s22], s20  }
0xa5: {  	s5 =	ssub.s32 $0x0, s20;
	[sflag:s22] =	ssyncset.done $0x0  }
0xa6: {  	[sflag:s22] =	ssyncadd.s32 s5;
	_ =	sdelay $0x1  }
0xa7: {  	s23 =	simm.s32 $0x1B8B  }
0xa8: {  	_ =	swait.ge [sflag:s23], $0x1  }
0xa9: {  	[sflag:s23] =	ssyncset.done $0x0  }
0xaa: {  	s25 =	simm.s32 $0x1B8E;
	s24 =	sld [smem:$0x3FFE];
	[sflag:s23] =	ssyncadd.s32 $0xFFFFFFFF  }
0xab: {  	s26 =	simm.s32 $execute0_lowered;
	[smem:$0x3FD2] =	sst s25  }
0xac: {  	s6 =	sshll.u32 s26, $0x1;
	_ =	strace $0x80000046;
	[dreg:$0x1] =	wrdreg $0xFFFFFFFF  }
0xad: {  	s28 =	simm.s32 $_size_execute0_lowered;
	s4 =	sadd.s32 s4, s6;
	[dreg:$0x0] =	wrdreg $0x0  }
0xae: {  	s6 =	sshll.u32 s28, $0x1;
	[dreg:$0x2] =	wrdreg s4  }
0xaf: {  	[dreg:$0x3] =	wrdreg s6  }
0xb0: {  	[dreg:$0x4] =	wrdreg $0xC0  }
0xb1: {  	_ =	task [dreg:s8], $0x5FFFF  }
0xb2: {  	[dreg:$0x1] =	wrdreg $0xFFFFFFFF  }
0xb3: {  	[dreg:$0x0] =	wrdreg $0x60  }
0xb4: {  	[dreg:$0x2] =	wrdreg s24  }
0xb5: {  	[dreg:$0x3] =	wrdreg s17  }
0xb6: {  	[dreg:$0x4] =	wrdreg s16  }
0xb7: {  	[dreg:$0x5] =	wrdreg $0x9  }
0xb8: {  	_ =	task.clear_ibuf [dreg:s8], $0x6FFFF;
	_ =	strace $0x90000046  }
0xb9: {  	s29 =	simm.s32 $0x9;
	_ =	strace $0x80000048  }
0xba: {  	_ =	swait.ge [sflag:s29], $0x1  }
0xbb: {  	[sflag:s29] =	ssyncadd.s32 $0xFFFFFFFF  }
0xbc: {  	_ =	strace $0x90000048  }
0xbd: {  	_ =	sfence  }
0xbe: {  	s30 =	sld [smem:$0x0];
	_ =	sdelay $0x2  }
0xbf: {  	s31 =	sshll.u32 s1, $0xD;
	s1 =	sshrl.u32 s1, $0x2  }
0xc0: {  	s3 =	sand.u32 $0x4000, s31;
	s1 =	sadd.s32 s1, s30  }
0xc1: {  	s0 =	sor.u32 s3, s0;
	s1 =	sshll.u32 s1, $0x11  }
0xc2: {  	s0 =	sor.u32 s1, s0  }
0xc3: {  	s0 =	sadd.s32 $0x8F2B, s0  }
0xc4: {  	[sflag:s0] =	ssyncadd.remote.s32 $0x1  }
0xc5: {  	_ =	sfence.sel $0xFFFF  }
0xc6: {  	[dreg:$0x0] =	wrdreg $0xFFFFFFFF;
	(pc) =	sbr.abs _section_cstart, $3  }
0xc7: {  	[dreg:$0x1] =	wrdreg $0xFFFFFFFF  }
0xc8: {  	_ =	task.clear_ibuf [dreg:s8], $0x2FFFF;
	_ =	strace $0x9FFFFFFF  }
0xc9: {  	(tm) =	ssettm $0x7FFFFFFF  }
tec
execute0_lowered:
.L_overlay_start_1:
0x0: {  	(tag) =	ssettag $0x1  }
0x1: {  	s5 =	rddreg [dreg:$0x0]  }
0x2: {  	s1 =	srdreg.scid;
	s3 =	rddreg [dreg:$0x1]  }
0x3: {  	s0 =	stileid.u32;
	s8 =	rddreg [dreg:$0x2];
	s6 =	sand.u32 $0x1, s1  }
0x4: {  	s2 =	simm.s32 $0x0;
	s4 =	sshll.u32 s0, $0xA;
	s7 =	sshll.u32 s6, $0x9  }
0x5: {  	[smem:$0x7FF] =	sst s2;
	s9 =	sor.u32 s7, s4  }
0x6: {  	s1 =	rddreg [dreg:$0x3];
	_ =	strace $0x80000047;
	s4 =	sshrl.u32 s9, $0x3  }
0x7: {  	s10 =	ssub.s32 $0x2, s6;
	s4 =	sadd.s32 s3, s4;
	s3 =	simm.s32 $0x2  }
0x8: {  	[tilespmem:s2], [sflag:$0x2] =	stream.linear.gather [hbm4b:s4+s2], $0x200, $0x38;
	[tilespmem:$0x4200] =	vst v63  }
0x9: {  	s5 =	sadd.s32 $0x600, s5;
	s11 =	sshrl.u32 s10, $0x1;
	_ =	swait.ge [sflag:s3], $0x200  }
0xa: {  	s6 =	simm.s32 $0x200;
	s10 =	ssub.s32 s10, s11;
	[sflag:s3] =	ssyncset.done $0x0  }
0xb: {  	s7 =	simm.s32 $0x1;
	s31 =	smax.u32 s10, $0x1;
	[sflag:s3] =	ssyncadd.s32 $0xFFFFFE00  }
0xc: {  	[tilespmem:s6], [sflag:$0x1] =	stream.indirect.gather [hbm4b:s5+s6], $0x20, s2, s6, $0xb8;
	[tilespmem:$0x4200] =	vst v63  }
0xd: {  	p0 =	sne.s32 s31, $0x1;
	_ =	swait.ge [sflag:s7], $0x4000  }
.Ltmp0:
0xe: {  	s9 =	sshll.u32 s9, $0x2;
	[sflag:s7] =	ssyncset.done $0x0;
	(pc) =	sbr.rel @!p0 .LBB2_2-.Ltmp0, $4  }
0xf: {  	s8 =	sadd.s32 s8, s9;
	[sflag:s7] =	ssyncadd.s32 $0xFFFFC000  }
0x10: {  	[hbm4b:s8+s2] =	stream.linear.scatter [tilespmem:s6], [sflag:$0x2], $0x4000, $0x38;
	[tilespmem:$0x4200] =	vst v63  }
0x11: {  	_ =	swait.ge [sflag:s3], $0x4000  }
0x12: {  	s9 =	sadd.s32 $0xFFFFFFFF, s31;
	[sflag:s3] =	ssyncset.done $0x0  }
.LBB2_1:
0x13: {  	p0 =	sne.s32 s9, $0x1;
	s9 =	sadd.s32 $0xFFFFFFFF, s9;
	[sflag:s3] =	ssyncadd.s32 $0xFFFFC000  }
0x14: {  	[tilespmem:s2], [sflag:$0x2] =	stream.linear.gather [hbm4b:s4+s2], $0x200, $0x38;
	[tilespmem:$0x4200] =	vst v63  }
0x15: {  	_ =	swait.ge [sflag:s3], $0x200  }
0x16: {  	[sflag:s3] =	ssyncset.done $0x0  }
0x17: {  	[sflag:s3] =	ssyncadd.s32 $0xFFFFFE00  }
0x18: {  	[tilespmem:s6], [sflag:$0x1] =	stream.indirect.gather [hbm4b:s5+s6], $0x20, s2, s6, $0xb8;
	[tilespmem:$0x4200] =	vst v63  }
0x19: {  	_ =	swait.ge [sflag:s7], $0x4000  }
.Ltmp1:
0x1a: {  	[sflag:s7] =	ssyncset.done $0x0;
	(pc) =	sbr.rel @p0 .LBB2_1-.Ltmp1, $4  }
0x1b: {  	[sflag:s7] =	ssyncadd.s32 $0xFFFFC000  }
0x1c: {  	[hbm4b:s8+s2] =	stream.linear.scatter [tilespmem:s6], [sflag:$0x2], $0x4000, $0x38;
	[tilespmem:$0x4200] =	vst v63  }
0x1d: {  	_ =	swait.ge [sflag:s3], $0x4000  }
0x1e: {  	[sflag:s3] =	ssyncset.done $0x0  }
.LBB2_2:
0x1f: {  	[sflag:s3] =	ssyncadd.s32 $0xFFFFC000  }
0x20: {  	_ =	sfence.sel $0x180000  }
0x21: {  	[bflag:$0x0] =	sbarrier.arrive $0xFFFF  }
0x22: {  	p0 =	sne.s32 s0, $0x0;
	_ =	strace $0x90000047  }
0x23: {  	s0 =	sadd.s32 @!p0 $0x100000, s1;
	[bflag:$0x2] =	sbarrier.arrive $0xFFFF  }
0x24: {  	[sflag:s0] =	ssyncadd.tile.s32 @!p0 $0x1;
	_ =	shalt  }
.Lfunc_end2:
_tile_overlayer_lowered:
.L_overlay_start_2:
0x25: {  	(tag) =	ssettag $0x2  }
0x26: {  	s0 =	rddreg [dreg:$0x0];
	s2 =	stileid.u32  }
0x27: {  	s1 =	rddreg [dreg:$0x1];
	p0 =	sne.s32 s2, $0x0  }
0x28: {  	s3 =	rddreg [dreg:$0x2];
	[bflag:$0x3] =	sbarrier.arrive $0xFFFF;
	s2 =	simm.s32 @!p0 $0x1C02  }
0x29: {  	[timem:s3], [sflag:s2] =	dma.local @!p0 [hbm:s0], s1  }
0x2a: {  	s0 =	simm.s32 @!p0 $0x2  }
0x2b: {  	_ =	swait.ge @!p0 [sflag:s0], s1  }
0x2c: {  	s1 =	ssub.s32 @!p0 $0x0, s1;
	[sflag:s0] =	ssyncset.done @!p0 $0x0  }
0x2d: {  	[sflag:s0] =	ssyncadd.s32 @!p0 s1  }
0x2e: {  	[bflag:$0x3] =	sbarrier.arrive $0xFFFF  }
0x2f: {  	_ =	shalt  }

</sc_bundles>
